<compile_context>
chip_gen: v7x
topology: tpu7x:2x2x1
jax: 0.10.2.dev20260603
libtpu: 0.0.44.dev20260713+nightly
codegen_flags: <defaults>
</compile_context>

<pallas_src>
import functools

import jax
import jax.numpy as jnp
from jax import lax
from jax.experimental import pallas as pl
from jax.experimental.pallas import tpu as pltpu
from jax.experimental.pallas import tpu_sc as plsc

PRE_SEQ_LEN = 128
HIDDEN = 768
ROW_DIM = 12 * 2 * HIDDEN
BATCH = 16
PREFIX_LEN = 128
B = BATCH * PREFIX_LEN

NC, NS = 2, 16
NW = NC * NS
B_PER_W = B // NW
CHUNK = 2
NBUF = 2
NCHUNKS = B_PER_W // CHUNK
NGROUPS = NCHUNKS // NBUF


def _make_kernel():
    mesh = plsc.VectorSubcoreMesh(core_axis_name="c", subcore_axis_name="s")

    @functools.partial(
        pl.kernel,
        mesh=mesh,
        out_type=jax.ShapeDtypeStruct((B, ROW_DIM), jnp.float32),
        scratch_types=[
            pltpu.VMEM((NCHUNKS, CHUNK), jnp.int32),
            pltpu.VMEM((NBUF, CHUNK, ROW_DIM), jnp.float32),
            pltpu.SemaphoreType.DMA,
            pltpu.SemaphoreType.DMA,
            pltpu.SemaphoreType.DMA,
            pltpu.SemaphoreType.DMA,
        ],
    )
    def gather_kernel(table_hbm, idx_hbm, out_hbm, idx_v, rows_v,
                      gsem0, gsem1, ssem0, ssem1):
        gsems = (gsem0, gsem1)
        ssems = (ssem0, ssem1)
        wid = lax.axis_index("s") * NC + lax.axis_index("c")
        base = wid * B_PER_W
        pltpu.sync_copy(idx_hbm.at[wid], idx_v)

        for b in range(NBUF):
            pltpu.async_copy(table_hbm.at[idx_v.at[b]], rows_v.at[b],
                             gsems[b])

        def body(g, carry):
            for b in range(NBUF):
                c = g * NBUF + b
                pltpu.make_async_copy(
                    table_hbm.at[idx_v.at[c]], rows_v.at[b],
                    gsems[b]).wait()
                pltpu.async_copy(
                    rows_v.at[b],
                    out_hbm.at[pl.ds(base + c * CHUNK, CHUNK)], ssems[b])

                @pl.when(c + NBUF < NCHUNKS)
                def _():
                    pltpu.make_async_copy(
                        rows_v.at[b],
                        out_hbm.at[pl.ds(base, CHUNK)], ssems[b]).wait()
                    pltpu.async_copy(
                        table_hbm.at[idx_v.at[c + NBUF]], rows_v.at[b],
                        gsems[b])
            return carry

        lax.fori_loop(0, NGROUPS, body, 0)
        for b in range(NBUF):
            pltpu.make_async_copy(
                rows_v.at[b],
                out_hbm.at[pl.ds(base, CHUNK)], ssems[b]).wait()

    return gather_kernel


_GATHER = _make_kernel()


@jax.jit
def kernel(prefix, table):
    idx = prefix.reshape(NW, NCHUNKS, CHUNK).astype(jnp.int32)
    out = _GATHER(table, idx)
    return out.reshape(BATCH, PREFIX_LEN, ROW_DIM)

# --- scband reference (transcript-rebuilt; emitter-appended) ---
"""Pipeline reference for scband-prefix-encoder-25194278158744 (READ-ONLY COPY).

The authoritative reference and input builder live on the scoring server;
editing this copy changes nothing except your own understanding.
"""

import jax, jax.numpy as jnp
import numpy as np

PRE_SEQ_LEN = 128
HIDDEN = 768
N_LAYERS = 12
ROW_DIM = N_LAYERS * 2 * HIDDEN  # 18432
BATCH = 16
PREFIX_LEN = 128

def setup_inputs(seed: int = 0) -> dict:
    key = jax.random.key(seed)
    k1, k2 = jax.random.split(key)
    prefix = jax.random.randint(k1, (BATCH, PREFIX_LEN), 0, PRE_SEQ_LEN, dtype=jnp.int64 if jax.config.jax_enable_x64 else jnp.int32)
    table = jax.random.normal(k2, (PRE_SEQ_LEN, ROW_DIM), dtype=jnp.float32) * 0.02
    return {"prefix": prefix, "table": table}

def reference(prefix, table):
    # prefix_projection == False branch: past_key_values = self.embedding(prefix)
    past_key_values = jnp.take(table, prefix, axis=0)
    return past_key_values

if __name__ == "__main__":
    import jax
    _d = setup_inputs()
    print(jax.jit(kernel)(*tuple(_d.values())))

</pallas_src>

<mosaic_0001>
#map = affine_map<(d0, d1) -> (0, 0)>
#map1 = affine_map<(d0, d1) -> (0, 0, 0)>
module attributes {stable_mosaic.version = 14 : i64} {
  func.func @gather_kernel(%arg0: i32, %arg1: i32, %arg2: memref<128x18432xf32, #tpu.memory_space<hbm>>, %arg3: memref<32x32x2xi32, #tpu.memory_space<hbm>>, %arg4: memref<2048x18432xf32, #tpu.memory_space<hbm>>, %arg5: memref<32x2xi32, #tpu.memory_space<vmem>>, %arg6: memref<2x2x18432xf32, #tpu.memory_space<vmem>>, %arg7: memref<!tpu.dma_semaphore, #tpu.memory_space<semaphore_mem>>, %arg8: memref<!tpu.dma_semaphore, #tpu.memory_space<semaphore_mem>>, %arg9: memref<!tpu.dma_semaphore, #tpu.memory_space<semaphore_mem>>, %arg10: memref<!tpu.dma_semaphore, #tpu.memory_space<semaphore_mem>>) attributes {dimension_semantics = [#tpu.dimension_semantics<core_parallel>, #tpu.dimension_semantics<subcore_parallel>], iteration_bounds = array<i64: 2, 16>, scalar_prefetch = 0 : i64, scratch_operands = 6 : i64, tpu.core_type = #tpu.core_type<sc_vector_subcore>, window_params = [{transform_indices = #map}, {transform_indices = #map1}, {transform_indices = #map}]} {
    %mul3A = arith.constant 2 : i32
    %mul3A_0 = arith.muli %arg1, %mul3A : i32
    %add3A = arith.addi %mul3A_0, %arg0 : i32
    %mul3A_1 = arith.constant 64 : i32
    %mul3A_2 = arith.muli %add3A, %mul3A_1 : i32
    "tpu.region"() ({
      %run_scoped3A = tpu.sem_alloc : memref<!tpu.dma_semaphore, #tpu.memory_space<semaphore_mem>>
      %dma_start3A_56 = arith.constant 0 : i32
      %dma_start3A_57 = arith.constant 0 : i32
      %dma_start3A_58 = tpu.memref_slice %arg3[%add3A, %dma_start3A_56, %dma_start3A_57] : memref<32x32x2xi32, #tpu.memory_space<hbm>> -> memref<1x32x2xi32, #tpu.memory_space<hbm>>
      %dma_start3A_59 = tpu.memref_squeeze %dma_start3A_58 : memref<1x32x2xi32, #tpu.memory_space<hbm>> -> memref<32x2xi32, #tpu.memory_space<hbm>>
      %dma_start3A_60 = arith.constant 0 : i32
      %dma_start3A_61 = arith.constant 0 : i32
      %dma_start3A_62 = tpu.memref_slice %arg3[%add3A, %dma_start3A_60, %dma_start3A_61] : memref<32x32x2xi32, #tpu.memory_space<hbm>> -> memref<1x32x2xi32, #tpu.memory_space<hbm>>
      %dma_start3A_63 = tpu.memref_squeeze %dma_start3A_62 : memref<1x32x2xi32, #tpu.memory_space<hbm>> -> memref<32x2xi32, #tpu.memory_space<hbm>>
      tpu.enqueue_dma source(%dma_start3A_63 : memref<32x2xi32, #tpu.memory_space<hbm>>) target(%arg5 : memref<32x2xi32, #tpu.memory_space<vmem>>) target_semaphore(%run_scoped3A : memref<!tpu.dma_semaphore, #tpu.memory_space<semaphore_mem>>)
      %dma_wait3A_64 = arith.constant 0 : i32
      %dma_wait3A_65 = arith.constant 0 : i32
      %dma_wait3A_66 = tpu.memref_slice %arg3[%add3A, %dma_wait3A_64, %dma_wait3A_65] : memref<32x32x2xi32, #tpu.memory_space<hbm>> -> memref<1x32x2xi32, #tpu.memory_space<hbm>>
      %dma_wait3A_67 = tpu.memref_squeeze %dma_wait3A_66 : memref<1x32x2xi32, #tpu.memory_space<hbm>> -> memref<32x2xi32, #tpu.memory_space<hbm>>
      %dma_wait3A_68 = arith.constant 0 : i32
      %dma_wait3A_69 = arith.constant 0 : i32
      %dma_wait3A_70 = tpu.memref_slice %arg3[%add3A, %dma_wait3A_68, %dma_wait3A_69] : memref<32x32x2xi32, #tpu.memory_space<hbm>> -> memref<1x32x2xi32, #tpu.memory_space<hbm>>
      %dma_wait3A_71 = tpu.memref_squeeze %dma_wait3A_70 : memref<1x32x2xi32, #tpu.memory_space<hbm>> -> memref<32x2xi32, #tpu.memory_space<hbm>>
      tpu.wait_dma2 semaphore(%run_scoped3A : memref<!tpu.dma_semaphore, #tpu.memory_space<semaphore_mem>>) src(%dma_wait3A_71 : memref<32x2xi32, #tpu.memory_space<hbm>>) dst(%arg5 : memref<32x2xi32, #tpu.memory_space<vmem>>)
      tpu.yield
    }) : () -> ()
    %dma_start3A = arith.constant 0 : i32
    %dma_start3A_3 = arith.constant 0 : i32
    %dma_start3A_4 = arith.constant 0 : i32
    %dma_start3A_5 = arith.constant 0 : i32
    %dma_start3A_6 = tpu.memref_slice %arg6[%dma_start3A_3, %dma_start3A_4, %dma_start3A_5] : memref<2x2x18432xf32, #tpu.memory_space<vmem>> -> memref<1x2x18432xf32, #tpu.memory_space<vmem>>
    %dma_start3A_7 = tpu.memref_squeeze %dma_start3A_6 : memref<1x2x18432xf32, #tpu.memory_space<vmem>> -> memref<2x18432xf32, #tpu.memory_space<vmem>>
    %dma_start3A_8 = arith.constant 0 : i32
    %dma_start3A_9 = tpu.memref_slice %arg5[%dma_start3A, %dma_start3A_8] : memref<32x2xi32, #tpu.memory_space<vmem>> -> memref<1x2xi32, #tpu.memory_space<vmem>>
    %dma_start3A_10 = tpu.memref_squeeze %dma_start3A_9 : memref<1x2xi32, #tpu.memory_space<vmem>> -> memref<2xi32, #tpu.memory_space<vmem>>
    %dma_start3A_11 = arith.constant 0 : i32
    %dma_start3A_12 = arith.constant 0 : i32
    %dma_start3A_13 = tpu.memref_slice %arg2[%dma_start3A_11, %dma_start3A_12] : memref<128x18432xf32, #tpu.memory_space<hbm>> -> memref<128x18432xf32, #tpu.memory_space<hbm>>
    tpu.enqueue_indirect_dma source(%dma_start3A_13 : memref<128x18432xf32, #tpu.memory_space<hbm>>) target(%dma_start3A_7 : memref<2x18432xf32, #tpu.memory_space<vmem>>) offsets(%dma_start3A_10 : memref<2xi32, #tpu.memory_space<vmem>>) semaphore(%arg7 : memref<!tpu.dma_semaphore, #tpu.memory_space<semaphore_mem>>)
    %dma_start3A_14 = arith.constant 1 : i32
    %dma_start3A_15 = arith.constant 1 : i32
    %dma_start3A_16 = arith.constant 0 : i32
    %dma_start3A_17 = arith.constant 0 : i32
    %dma_start3A_18 = tpu.memref_slice %arg6[%dma_start3A_15, %dma_start3A_16, %dma_start3A_17] : memref<2x2x18432xf32, #tpu.memory_space<vmem>> -> memref<1x2x18432xf32, #tpu.memory_space<vmem>>
    %dma_start3A_19 = tpu.memref_squeeze %dma_start3A_18 : memref<1x2x18432xf32, #tpu.memory_space<vmem>> -> memref<2x18432xf32, #tpu.memory_space<vmem>>
    %dma_start3A_20 = arith.constant 0 : i32
    %dma_start3A_21 = tpu.memref_slice %arg5[%dma_start3A_14, %dma_start3A_20] : memref<32x2xi32, #tpu.memory_space<vmem>> -> memref<1x2xi32, #tpu.memory_space<vmem>>
    %dma_start3A_22 = tpu.memref_squeeze %dma_start3A_21 : memref<1x2xi32, #tpu.memory_space<vmem>> -> memref<2xi32, #tpu.memory_space<vmem>>
    %dma_start3A_23 = arith.constant 0 : i32
    %dma_start3A_24 = arith.constant 0 : i32
    %dma_start3A_25 = tpu.memref_slice %arg2[%dma_start3A_23, %dma_start3A_24] : memref<128x18432xf32, #tpu.memory_space<hbm>> -> memref<128x18432xf32, #tpu.memory_space<hbm>>
    tpu.enqueue_indirect_dma source(%dma_start3A_25 : memref<128x18432xf32, #tpu.memory_space<hbm>>) target(%dma_start3A_19 : memref<2x18432xf32, #tpu.memory_space<vmem>>) offsets(%dma_start3A_22 : memref<2xi32, #tpu.memory_space<vmem>>) semaphore(%arg8 : memref<!tpu.dma_semaphore, #tpu.memory_space<semaphore_mem>>)
    %scan3A = arith.constant 0 : i32
    %scan3A_26 = arith.constant 0 : i32
    %scan3A_27 = arith.constant 16 : i32
    %scan3A_28 = arith.addi %scan3A_26, %scan3A_27 : i32
    %scan3A_29 = arith.constant 1 : i32
    scf.for %scan3A_56 = %scan3A_26 to %scan3A_28 step %scan3A_29  : i32 {
      %mul3A_57 = arith.constant 2 : i32
      %mul3A_58 = arith.muli %scan3A_56, %mul3A_57 : i32
      %add3A_59 = arith.constant 0 : i32
      %add3A_60 = arith.addi %mul3A_58, %add3A_59 : i32
      %dma_wait3A_61 = arith.constant 0 : i32
      %dma_wait3A_62 = arith.constant 0 : i32
      %dma_wait3A_63 = arith.constant 0 : i32
      %dma_wait3A_64 = tpu.memref_slice %arg6[%dma_wait3A_61, %dma_wait3A_62, %dma_wait3A_63] : memref<2x2x18432xf32, #tpu.memory_space<vmem>> -> memref<1x2x18432xf32, #tpu.memory_space<vmem>>
      %dma_wait3A_65 = tpu.memref_squeeze %dma_wait3A_64 : memref<1x2x18432xf32, #tpu.memory_space<vmem>> -> memref<2x18432xf32, #tpu.memory_space<vmem>>
      %dma_wait3A_66 = arith.constant 0 : i32
      %dma_wait3A_67 = tpu.memref_slice %arg5[%add3A_60, %dma_wait3A_66] : memref<32x2xi32, #tpu.memory_space<vmem>> -> memref<1x2xi32, #tpu.memory_space<vmem>>
      %dma_wait3A_68 = tpu.memref_squeeze %dma_wait3A_67 : memref<1x2xi32, #tpu.memory_space<vmem>> -> memref<2xi32, #tpu.memory_space<vmem>>
      %dma_wait3A_69 = arith.constant 0 : i32
      %dma_wait3A_70 = arith.constant 0 : i32
      %dma_wait3A_71 = tpu.memref_slice %arg2[%dma_wait3A_69, %dma_wait3A_70] : memref<128x18432xf32, #tpu.memory_space<hbm>> -> memref<128x18432xf32, #tpu.memory_space<hbm>>
      tpu.wait_indirect_dma semaphore(%arg7 : memref<!tpu.dma_semaphore, #tpu.memory_space<semaphore_mem>>) src(%dma_wait3A_71 : memref<128x18432xf32, #tpu.memory_space<hbm>>) dst(%dma_wait3A_65 : memref<2x18432xf32, #tpu.memory_space<vmem>>)
      %mul3A_72 = arith.constant 2 : i32
      %mul3A_73 = arith.muli %add3A_60, %mul3A_72 : i32
      %add3A_74 = arith.addi %mul3A_2, %mul3A_73 : i32
      %dma_start3A_75 = arith.constant 0 : i32
      %dma_start3A_76 = arith.constant 0 : i32
      %dma_start3A_77 = arith.constant 0 : i32
      %dma_start3A_78 = tpu.memref_slice %arg6[%dma_start3A_75, %dma_start3A_76, %dma_start3A_77] : memref<2x2x18432xf32, #tpu.memory_space<vmem>> -> memref<1x2x18432xf32, #tpu.memory_space<vmem>>
      %dma_start3A_79 = tpu.memref_squeeze %dma_start3A_78 : memref<1x2x18432xf32, #tpu.memory_space<vmem>> -> memref<2x18432xf32, #tpu.memory_space<vmem>>
      %dma_start3A_80 = arith.constant 0 : i32
      %dma_start3A_81 = tpu.memref_slice %arg4[%add3A_74, %dma_start3A_80] : memref<2048x18432xf32, #tpu.memory_space<hbm>> -> memref<2x18432xf32, #tpu.memory_space<hbm>>
      %dma_start3A_82 = arith.constant 0 : i32
      %dma_start3A_83 = tpu.memref_slice %arg4[%add3A_74, %dma_start3A_82] : memref<2048x18432xf32, #tpu.memory_space<hbm>> -> memref<2x18432xf32, #tpu.memory_space<hbm>>
      %dma_start3A_84 = arith.constant 0 : i32
      %dma_start3A_85 = arith.constant 0 : i32
      %dma_start3A_86 = tpu.memref_slice %arg6[%dma_start3A_75, %dma_start3A_84, %dma_start3A_85] : memref<2x2x18432xf32, #tpu.memory_space<vmem>> -> memref<1x2x18432xf32, #tpu.memory_space<vmem>>
      %dma_start3A_87 = tpu.memref_squeeze %dma_start3A_86 : memref<1x2x18432xf32, #tpu.memory_space<vmem>> -> memref<2x18432xf32, #tpu.memory_space<vmem>>
      tpu.enqueue_dma source(%dma_start3A_87 : memref<2x18432xf32, #tpu.memory_space<vmem>>) target(%dma_start3A_83 : memref<2x18432xf32, #tpu.memory_space<hbm>>) target_semaphore(%arg9 : memref<!tpu.dma_semaphore, #tpu.memory_space<semaphore_mem>>)
      %add3A_88 = arith.constant 2 : i32
      %add3A_89 = arith.addi %add3A_60, %add3A_88 : i32
      %lt3A = arith.constant 32 : i32
      %lt3A_90 = arith.cmpi slt, %add3A_89, %lt3A : i32
      %convert_element_type3A = arith.extui %lt3A_90 : i1 to i32
      %cond3A = arith.constant 0 : i32
      %cond3A_91 = arith.cmpi ne, %convert_element_type3A, %cond3A : i32
      scf.if %cond3A_91 {
        %dma_wait3A_130 = arith.constant 0 : i32
        %dma_wait3A_131 = arith.constant 0 : i32
        %dma_wait3A_132 = arith.constant 0 : i32
        %dma_wait3A_133 = tpu.memref_slice %arg6[%dma_wait3A_130, %dma_wait3A_131, %dma_wait3A_132] : memref<2x2x18432xf32, #tpu.memory_space<vmem>> -> memref<1x2x18432xf32, #tpu.memory_space<vmem>>
        %dma_wait3A_134 = tpu.memref_squeeze %dma_wait3A_133 : memref<1x2x18432xf32, #tpu.memory_space<vmem>> -> memref<2x18432xf32, #tpu.memory_space<vmem>>
        %dma_wait3A_135 = arith.constant 0 : i32
        %dma_wait3A_136 = tpu.memref_slice %arg4[%mul3A_2, %dma_wait3A_135] : memref<2048x18432xf32, #tpu.memory_space<hbm>> -> memref<2x18432xf32, #tpu.memory_space<hbm>>
        %dma_wait3A_137 = arith.constant 0 : i32
        %dma_wait3A_138 = tpu.memref_slice %arg4[%mul3A_2, %dma_wait3A_137] : memref<2048x18432xf32, #tpu.memory_space<hbm>> -> memref<2x18432xf32, #tpu.memory_space<hbm>>
        %dma_wait3A_139 = arith.constant 0 : i32
        %dma_wait3A_140 = arith.constant 0 : i32
        %dma_wait3A_141 = tpu.memref_slice %arg6[%dma_wait3A_130, %dma_wait3A_139, %dma_wait3A_140] : memref<2x2x18432xf32, #tpu.memory_space<vmem>> -> memref<1x2x18432xf32, #tpu.memory_space<vmem>>
        %dma_wait3A_142 = tpu.memref_squeeze %dma_wait3A_141 : memref<1x2x18432xf32, #tpu.memory_space<vmem>> -> memref<2x18432xf32, #tpu.memory_space<vmem>>
        tpu.wait_dma2 semaphore(%arg9 : memref<!tpu.dma_semaphore, #tpu.memory_space<semaphore_mem>>) src(%dma_wait3A_142 : memref<2x18432xf32, #tpu.memory_space<vmem>>) dst(%dma_wait3A_138 : memref<2x18432xf32, #tpu.memory_space<hbm>>)
        %add3A_143 = arith.constant 2 : i32
        %add3A_144 = arith.addi %add3A_60, %add3A_143 : i32
        %dma_start3A_145 = arith.constant 0 : i32
        %dma_start3A_146 = arith.constant 0 : i32
        %dma_start3A_147 = arith.constant 0 : i32
        %dma_start3A_148 = tpu.memref_slice %arg6[%dma_start3A_145, %dma_start3A_146, %dma_start3A_147] : memref<2x2x18432xf32, #tpu.memory_space<vmem>> -> memref<1x2x18432xf32, #tpu.memory_space<vmem>>
        %dma_start3A_149 = tpu.memref_squeeze %dma_start3A_148 : memref<1x2x18432xf32, #tpu.memory_space<vmem>> -> memref<2x18432xf32, #tpu.memory_space<vmem>>
        %dma_start3A_150 = arith.constant 0 : i32
        %dma_start3A_151 = tpu.memref_slice %arg5[%add3A_144, %dma_start3A_150] : memref<32x2xi32, #tpu.memory_space<vmem>> -> memref<1x2xi32, #tpu.memory_space<vmem>>
        %dma_start3A_152 = tpu.memref_squeeze %dma_start3A_151 : memref<1x2xi32, #tpu.memory_space<vmem>> -> memref<2xi32, #tpu.memory_space<vmem>>
        %dma_start3A_153 = arith.constant 0 : i32
        %dma_start3A_154 = arith.constant 0 : i32
        %dma_start3A_155 = tpu.memref_slice %arg2[%dma_start3A_153, %dma_start3A_154] : memref<128x18432xf32, #tpu.memory_space<hbm>> -> memref<128x18432xf32, #tpu.memory_space<hbm>>
        tpu.enqueue_indirect_dma source(%dma_start3A_155 : memref<128x18432xf32, #tpu.memory_space<hbm>>) target(%dma_start3A_149 : memref<2x18432xf32, #tpu.memory_space<vmem>>) offsets(%dma_start3A_152 : memref<2xi32, #tpu.memory_space<vmem>>) semaphore(%arg7 : memref<!tpu.dma_semaphore, #tpu.memory_space<semaphore_mem>>)
      } else {
      }
      %mul3A_92 = arith.constant 2 : i32
      %mul3A_93 = arith.muli %scan3A_56, %mul3A_92 : i32
      %add3A_94 = arith.constant 1 : i32
      %add3A_95 = arith.addi %mul3A_93, %add3A_94 : i32
      %dma_wait3A_96 = arith.constant 1 : i32
      %dma_wait3A_97 = arith.constant 0 : i32
      %dma_wait3A_98 = arith.constant 0 : i32
      %dma_wait3A_99 = tpu.memref_slice %arg6[%dma_wait3A_96, %dma_wait3A_97, %dma_wait3A_98] : memref<2x2x18432xf32, #tpu.memory_space<vmem>> -> memref<1x2x18432xf32, #tpu.memory_space<vmem>>
      %dma_wait3A_100 = tpu.memref_squeeze %dma_wait3A_99 : memref<1x2x18432xf32, #tpu.memory_space<vmem>> -> memref<2x18432xf32, #tpu.memory_space<vmem>>
      %dma_wait3A_101 = arith.constant 0 : i32
      %dma_wait3A_102 = tpu.memref_slice %arg5[%add3A_95, %dma_wait3A_101] : memref<32x2xi32, #tpu.memory_space<vmem>> -> memref<1x2xi32, #tpu.memory_space<vmem>>
      %dma_wait3A_103 = tpu.memref_squeeze %dma_wait3A_102 : memref<1x2xi32, #tpu.memory_space<vmem>> -> memref<2xi32, #tpu.memory_space<vmem>>
      %dma_wait3A_104 = arith.constant 0 : i32
      %dma_wait3A_105 = arith.constant 0 : i32
      %dma_wait3A_106 = tpu.memref_slice %arg2[%dma_wait3A_104, %dma_wait3A_105] : memref<128x18432xf32, #tpu.memory_space<hbm>> -> memref<128x18432xf32, #tpu.memory_space<hbm>>
      tpu.wait_indirect_dma semaphore(%arg8 : memref<!tpu.dma_semaphore, #tpu.memory_space<semaphore_mem>>) src(%dma_wait3A_106 : memref<128x18432xf32, #tpu.memory_space<hbm>>) dst(%dma_wait3A_100 : memref<2x18432xf32, #tpu.memory_space<vmem>>)
      %mul3A_107 = arith.constant 2 : i32
      %mul3A_108 = arith.muli %add3A_95, %mul3A_107 : i32
      %add3A_109 = arith.addi %mul3A_2, %mul3A_108 : i32
      %dma_start3A_110 = arith.constant 1 : i32
      %dma_start3A_111 = arith.constant 0 : i32
      %dma_start3A_112 = arith.constant 0 : i32
      %dma_start3A_113 = tpu.memref_slice %arg6[%dma_start3A_110, %dma_start3A_111, %dma_start3A_112] : memref<2x2x18432xf32, #tpu.memory_space<vmem>> -> memref<1x2x18432xf32, #tpu.memory_space<vmem>>
      %dma_start3A_114 = tpu.memref_squeeze %dma_start3A_113 : memref<1x2x18432xf32, #tpu.memory_space<vmem>> -> memref<2x18432xf32, #tpu.memory_space<vmem>>
      %dma_start3A_115 = arith.constant 0 : i32
      %dma_start3A_116 = tpu.memref_slice %arg4[%add3A_109, %dma_start3A_115] : memref<2048x18432xf32, #tpu.memory_space<hbm>> -> memref<2x18432xf32, #tpu.memory_space<hbm>>
      %dma_start3A_117 = arith.constant 0 : i32
      %dma_start3A_118 = tpu.memref_slice %arg4[%add3A_109, %dma_start3A_117] : memref<2048x18432xf32, #tpu.memory_space<hbm>> -> memref<2x18432xf32, #tpu.memory_space<hbm>>
      %dma_start3A_119 = arith.constant 0 : i32
      %dma_start3A_120 = arith.constant 0 : i32
      %dma_start3A_121 = tpu.memref_slice %arg6[%dma_start3A_110, %dma_start3A_119, %dma_start3A_120] : memref<2x2x18432xf32, #tpu.memory_space<vmem>> -> memref<1x2x18432xf32, #tpu.memory_space<vmem>>
      %dma_start3A_122 = tpu.memref_squeeze %dma_start3A_121 : memref<1x2x18432xf32, #tpu.memory_space<vmem>> -> memref<2x18432xf32, #tpu.memory_space<vmem>>
      tpu.enqueue_dma source(%dma_start3A_122 : memref<2x18432xf32, #tpu.memory_space<vmem>>) target(%dma_start3A_118 : memref<2x18432xf32, #tpu.memory_space<hbm>>) target_semaphore(%arg10 : memref<!tpu.dma_semaphore, #tpu.memory_space<semaphore_mem>>)
      %add3A_123 = arith.constant 2 : i32
      %add3A_124 = arith.addi %add3A_95, %add3A_123 : i32
      %lt3A_125 = arith.constant 32 : i32
      %lt3A_126 = arith.cmpi slt, %add3A_124, %lt3A_125 : i32
      %convert_element_type3A_127 = arith.extui %lt3A_126 : i1 to i32
      %cond3A_128 = arith.constant 0 : i32
      %cond3A_129 = arith.cmpi ne, %convert_element_type3A_127, %cond3A_128 : i32
      scf.if %cond3A_129 {
        %dma_wait3A_130 = arith.constant 1 : i32
        %dma_wait3A_131 = arith.constant 0 : i32
        %dma_wait3A_132 = arith.constant 0 : i32
        %dma_wait3A_133 = tpu.memref_slice %arg6[%dma_wait3A_130, %dma_wait3A_131, %dma_wait3A_132] : memref<2x2x18432xf32, #tpu.memory_space<vmem>> -> memref<1x2x18432xf32, #tpu.memory_space<vmem>>
        %dma_wait3A_134 = tpu.memref_squeeze %dma_wait3A_133 : memref<1x2x18432xf32, #tpu.memory_space<vmem>> -> memref<2x18432xf32, #tpu.memory_space<vmem>>
        %dma_wait3A_135 = arith.constant 0 : i32
        %dma_wait3A_136 = tpu.memref_slice %arg4[%mul3A_2, %dma_wait3A_135] : memref<2048x18432xf32, #tpu.memory_space<hbm>> -> memref<2x18432xf32, #tpu.memory_space<hbm>>
        %dma_wait3A_137 = arith.constant 0 : i32
        %dma_wait3A_138 = tpu.memref_slice %arg4[%mul3A_2, %dma_wait3A_137] : memref<2048x18432xf32, #tpu.memory_space<hbm>> -> memref<2x18432xf32, #tpu.memory_space<hbm>>
        %dma_wait3A_139 = arith.constant 0 : i32
        %dma_wait3A_140 = arith.constant 0 : i32
        %dma_wait3A_141 = tpu.memref_slice %arg6[%dma_wait3A_130, %dma_wait3A_139, %dma_wait3A_140] : memref<2x2x18432xf32, #tpu.memory_space<vmem>> -> memref<1x2x18432xf32, #tpu.memory_space<vmem>>
        %dma_wait3A_142 = tpu.memref_squeeze %dma_wait3A_141 : memref<1x2x18432xf32, #tpu.memory_space<vmem>> -> memref<2x18432xf32, #tpu.memory_space<vmem>>
        tpu.wait_dma2 semaphore(%arg10 : memref<!tpu.dma_semaphore, #tpu.memory_space<semaphore_mem>>) src(%dma_wait3A_142 : memref<2x18432xf32, #tpu.memory_space<vmem>>) dst(%dma_wait3A_138 : memref<2x18432xf32, #tpu.memory_space<hbm>>)
        %add3A_143 = arith.constant 2 : i32
        %add3A_144 = arith.addi %add3A_95, %add3A_143 : i32
        %dma_start3A_145 = arith.constant 1 : i32
        %dma_start3A_146 = arith.constant 0 : i32
        %dma_start3A_147 = arith.constant 0 : i32
        %dma_start3A_148 = tpu.memref_slice %arg6[%dma_start3A_145, %dma_start3A_146, %dma_start3A_147] : memref<2x2x18432xf32, #tpu.memory_space<vmem>> -> memref<1x2x18432xf32, #tpu.memory_space<vmem>>
        %dma_start3A_149 = tpu.memref_squeeze %dma_start3A_148 : memref<1x2x18432xf32, #tpu.memory_space<vmem>> -> memref<2x18432xf32, #tpu.memory_space<vmem>>
        %dma_start3A_150 = arith.constant 0 : i32
        %dma_start3A_151 = tpu.memref_slice %arg5[%add3A_144, %dma_start3A_150] : memref<32x2xi32, #tpu.memory_space<vmem>> -> memref<1x2xi32, #tpu.memory_space<vmem>>
        %dma_start3A_152 = tpu.memref_squeeze %dma_start3A_151 : memref<1x2xi32, #tpu.memory_space<vmem>> -> memref<2xi32, #tpu.memory_space<vmem>>
        %dma_start3A_153 = arith.constant 0 : i32
        %dma_start3A_154 = arith.constant 0 : i32
        %dma_start3A_155 = tpu.memref_slice %arg2[%dma_start3A_153, %dma_start3A_154] : memref<128x18432xf32, #tpu.memory_space<hbm>> -> memref<128x18432xf32, #tpu.memory_space<hbm>>
        tpu.enqueue_indirect_dma source(%dma_start3A_155 : memref<128x18432xf32, #tpu.memory_space<hbm>>) target(%dma_start3A_149 : memref<2x18432xf32, #tpu.memory_space<vmem>>) offsets(%dma_start3A_152 : memref<2xi32, #tpu.memory_space<vmem>>) semaphore(%arg8 : memref<!tpu.dma_semaphore, #tpu.memory_space<semaphore_mem>>)
      } else {
      }
    }
    %scan3A_30 = arith.constant 16 : i32
    %dma_wait3A = arith.constant 0 : i32
    %dma_wait3A_31 = arith.constant 0 : i32
    %dma_wait3A_32 = arith.constant 0 : i32
    %dma_wait3A_33 = tpu.memref_slice %arg6[%dma_wait3A, %dma_wait3A_31, %dma_wait3A_32] : memref<2x2x18432xf32, #tpu.memory_space<vmem>> -> memref<1x2x18432xf32, #tpu.memory_space<vmem>>
    %dma_wait3A_34 = tpu.memref_squeeze %dma_wait3A_33 : memref<1x2x18432xf32, #tpu.memory_space<vmem>> -> memref<2x18432xf32, #tpu.memory_space<vmem>>
    %dma_wait3A_35 = arith.constant 0 : i32
    %dma_wait3A_36 = tpu.memref_slice %arg4[%mul3A_2, %dma_wait3A_35] : memref<2048x18432xf32, #tpu.memory_space<hbm>> -> memref<2x18432xf32, #tpu.memory_space<hbm>>
    %dma_wait3A_37 = arith.constant 0 : i32
    %dma_wait3A_38 = tpu.memref_slice %arg4[%mul3A_2, %dma_wait3A_37] : memref<2048x18432xf32, #tpu.memory_space<hbm>> -> memref<2x18432xf32, #tpu.memory_space<hbm>>
    %dma_wait3A_39 = arith.constant 0 : i32
    %dma_wait3A_40 = arith.constant 0 : i32
    %dma_wait3A_41 = tpu.memref_slice %arg6[%dma_wait3A, %dma_wait3A_39, %dma_wait3A_40] : memref<2x2x18432xf32, #tpu.memory_space<vmem>> -> memref<1x2x18432xf32, #tpu.memory_space<vmem>>
    %dma_wait3A_42 = tpu.memref_squeeze %dma_wait3A_41 : memref<1x2x18432xf32, #tpu.memory_space<vmem>> -> memref<2x18432xf32, #tpu.memory_space<vmem>>
    tpu.wait_dma2 semaphore(%arg9 : memref<!tpu.dma_semaphore, #tpu.memory_space<semaphore_mem>>) src(%dma_wait3A_42 : memref<2x18432xf32, #tpu.memory_space<vmem>>) dst(%dma_wait3A_38 : memref<2x18432xf32, #tpu.memory_space<hbm>>)
    %dma_wait3A_43 = arith.constant 1 : i32
    %dma_wait3A_44 = arith.constant 0 : i32
    %dma_wait3A_45 = arith.constant 0 : i32
    %dma_wait3A_46 = tpu.memref_slice %arg6[%dma_wait3A_43, %dma_wait3A_44, %dma_wait3A_45] : memref<2x2x18432xf32, #tpu.memory_space<vmem>> -> memref<1x2x18432xf32, #tpu.memory_space<vmem>>
    %dma_wait3A_47 = tpu.memref_squeeze %dma_wait3A_46 : memref<1x2x18432xf32, #tpu.memory_space<vmem>> -> memref<2x18432xf32, #tpu.memory_space<vmem>>
    %dma_wait3A_48 = arith.constant 0 : i32
    %dma_wait3A_49 = tpu.memref_slice %arg4[%mul3A_2, %dma_wait3A_48] : memref<2048x18432xf32, #tpu.memory_space<hbm>> -> memref<2x18432xf32, #tpu.memory_space<hbm>>
    %dma_wait3A_50 = arith.constant 0 : i32
    %dma_wait3A_51 = tpu.memref_slice %arg4[%mul3A_2, %dma_wait3A_50] : memref<2048x18432xf32, #tpu.memory_space<hbm>> -> memref<2x18432xf32, #tpu.memory_space<hbm>>
    %dma_wait3A_52 = arith.constant 0 : i32
    %dma_wait3A_53 = arith.constant 0 : i32
    %dma_wait3A_54 = tpu.memref_slice %arg6[%dma_wait3A_43, %dma_wait3A_52, %dma_wait3A_53] : memref<2x2x18432xf32, #tpu.memory_space<vmem>> -> memref<1x2x18432xf32, #tpu.memory_space<vmem>>
    %dma_wait3A_55 = tpu.memref_squeeze %dma_wait3A_54 : memref<1x2x18432xf32, #tpu.memory_space<vmem>> -> memref<2x18432xf32, #tpu.memory_space<vmem>>
    tpu.wait_dma2 semaphore(%arg10 : memref<!tpu.dma_semaphore, #tpu.memory_space<semaphore_mem>>) src(%dma_wait3A_55 : memref<2x18432xf32, #tpu.memory_space<vmem>>) dst(%dma_wait3A_51 : memref<2x18432xf32, #tpu.memory_space<hbm>>)
    return
  }
}

</mosaic_0001>

<sc_bundles>
// kernel: kernel.3.cloned.1.call-start
scs
__scs_entry_jumppad:
0x0: {  	(pc) =	sbr.rel $0x88, $3  }
0x1: {  	(tag) =	ssettag $0x0;
	lr =	simm.s32 $0x1  }
0x2: {  	[smem:$0x3F9F] =	sst lr;
	_ =	strace $0xD0000000  }
0x3: {  	_ = 	snop  }
0x4: {  	_ = 	snop  }
0x5: {  	_ = 	snop  }
0x6: {  	_ = 	snop  }
0x7: {  	_ = 	snop  }
__scs_overlays_trampoline_lowered:
0x8: {  	[smem:$0x3FAE] =	sst s0  }
0x9: {  	[smem:$0x3FAF] =	sst s1  }
0xa: {  	[smem:$0x3FB0] =	sst s2  }
0xb: {  	[smem:$0x3FB1] =	sst s3  }
0xc: {  	[smem:$0x3FB2] =	sst s4  }
0xd: {  	[smem:$0x3FB3] =	sst s5  }
0xe: {  	[smem:$0x3FB4] =	sst s6  }
0xf: {  	[smem:$0x3FB5] =	sst s7  }
0x10: {  	[smem:$0x3FB6] =	sst s8  }
0x11: {  	[smem:$0x3FB7] =	sst s9;
	s0 =	simm.s32 @!p0 $0x0  }
0x12: {  	s1 =	sld [smem:$0x3F9D];
	s0 =	simm.s32 @p0 $0x1  }
0x13: {  	[smem:$0x3FB8] =	sst s0;
	s0 =	simm.s32 @!p1 $0x0  }
0x14: {  	s2 =	sld [smem:$0x3F9C];
	s0 =	simm.s32 @p1 $0x1  }
0x15: {  	[smem:$0x3FB9] =	sst s0;
	s0 =	simm.s32 @!p2 $0x0  }
0x16: {  	s3 =	sld [smem:$0x3FDB];
	s0 =	simm.s32 @p2 $0x1  }
0x17: {  	s4 =	simm.s32 $0x1BF5;
	[smem:$0x3FBB] =	sst s0  }
0x18: {  	s0 =	sld [smem:$0x3F9E];
	_ =	swait.ge [sflag:s4], $0x0  }
0x19: {  	s7 =	sld [smem:$0x3F9F]  }
0x1a: {  	s8 =	sadd.s32 $0xFFFFE003, lr  }
0x1b: {  	s9 =	sadd.s32 $0xFFFFFEF7, lr;
	s5 =	simm.s32 $0xFFFFFFFF;
	p2 =	slt.u32 s8, $0xFFFFF086  }
0x1c: {  	p1 =	slt.u32 s9, $0xF7A;
	s5 =	simm.s32 @!p2 $0x0  }
0x1d: {  	s5 =	simm.s32 @p1 $0x1;
	p0 =	seq.s32 s7, s2  }
0x1e: {  	s7 =	smul.u32 @!p0 $0xF7A, s2;
	p2 =	seq.s32 @!p0 s5, $0x0  }
0x1f: {  	s9 =	smul.u32 $0xF7A, s1;
	s8 =	simm.s32 @!p0 $0x1BF5;
	p2 =	por !p2, p0  }
0x20: {  	[sflag:s8] =	ssyncset.s32 @!p0 $0xFFFFF086;
	s6 =	sadd.s32 @!p0 s3, s7;
	s7 =	simm.s32 @!p0 $0x108  }
0x21: {  	s3 =	sadd.s32 s3, s9;
	s6 =	sadd.s32 @!p0 $0x88, s6;
	s7 =	simm.s32 @p2 $0x1082  }
0x22: {  	[simem:s7], [sflag:s8] =	dma.local @!p0 [hbm:s6], $0xF7A  }
0x23: {  	s9 =	sor.u32 $0xD0000000, s2;
	s6 =	simm.s32 $0x108;
	_ =	swait.ge @!p0 [sflag:s8], $0x0  }
0x24: {  	s3 =	sadd.s32 $0x88, s3;
	s6 =	simm.s32 @!p1 $0x1082;
	[sflag:s4] =	ssyncset.s32 $0xFFFFF086  }
0x25: {  	[simem:s6], [sflag:s4] =	dma.local [hbm:s3], $0xF7A  }
0x26: {  	[smem:$0x3F9F] =	sst s1;
	(tag) =	ssettag s2;
	_ =	strace s9  }
0x27: {  	s1 =	sld [smem:$0x3FAF]  }
0x28: {  	s2 =	sld [smem:$0x3FB0]  }
0x29: {  	s4 =	sld [smem:$0x3FB2]  }
0x2a: {  	p0 =	seq.s32 s5, $0x0;
	s5 =	sld [smem:$0x3FB3]  }
0x2b: {  	s6 =	sld [smem:$0x3FB4]  }
0x2c: {  	s7 =	sld [smem:$0x3FB5]  }
0x2d: {  	s3 =	simm.s32 $0x108;
	s8 =	sld [smem:$0x3FB6]  }
0x2e: {  	s3 =	simm.s32 @!p0 $0x1082;
	s9 =	sld [smem:$0x3FB7]  }
0x2f: {  	lr =	sadd.s32 s0, s3;
	s0 =	sld [smem:$0x3FAE]  }
0x30: {  	s3 =	sld [smem:$0x3FB1]  }
0x31: {  	[smem:$0x3FBA] =	sst s10  }
0x32: {  	s10 =	sld [smem:$0x3FB8];
	_ =	sdelay $0x3  }
0x33: {  	p0 =	seq.s32 s10, $0x1;
	s10 =	sld [smem:$0x3FBA];
	_ =	sdelay $0x3  }
0x34: {  	[smem:$0x3FBA] =	sst s10  }
0x35: {  	s10 =	sld [smem:$0x3FB9];
	_ =	sdelay $0x3  }
0x36: {  	p1 =	seq.s32 s10, $0x1;
	s10 =	sld [smem:$0x3FBA];
	_ =	sdelay $0x3  }
0x37: {  	[smem:$0x3FBA] =	sst s10  }
0x38: {  	s10 =	sld [smem:$0x3FBB]  }
0x39: {  	_ = 	snop;
	(pc) =	sbr.ind lr, $3  }
0x3a: {  	_ = 	snop  }
0x3b: {  	_ = 	snop  }
0x3c: {  	p2 =	seq.s32 s10, $0x1;
	s10 =	sld [smem:$0x3FBA]  }
0x3d: {  	_ =	shalt  }
0x3e: {  	_ =	shalt  }
0x3f: {  	_ =	shalt  }
0x40: {  	_ =	shalt  }
0x41: {  	_ =	shalt  }
0x42: {  	_ =	shalt  }
0x43: {  	_ =	shalt  }
0x44: {  	_ =	shalt  }
0x45: {  	_ =	shalt  }
0x46: {  	_ =	shalt  }
0x47: {  	_ =	shalt  }
0x48: {  	_ =	shalt  }
0x49: {  	_ =	shalt  }
0x4a: {  	_ =	shalt  }
0x4b: {  	_ =	shalt  }
0x4c: {  	_ =	shalt  }
0x4d: {  	_ =	shalt  }
0x4e: {  	_ =	shalt  }
0x4f: {  	_ =	shalt  }
0x50: {  	_ =	shalt  }
0x51: {  	_ =	shalt  }
0x52: {  	_ =	shalt  }
0x53: {  	_ =	shalt  }
0x54: {  	_ =	shalt  }
0x55: {  	_ =	shalt  }
0x56: {  	_ =	shalt  }
0x57: {  	_ =	shalt  }
0x58: {  	_ =	shalt  }
0x59: {  	_ =	shalt  }
0x5a: {  	_ =	shalt  }
0x5b: {  	_ =	shalt  }
0x5c: {  	_ =	shalt  }
0x5d: {  	_ =	shalt  }
0x5e: {  	_ =	shalt  }
0x5f: {  	_ =	shalt  }
0x60: {  	_ =	shalt  }
0x61: {  	_ =	shalt  }
0x62: {  	_ =	shalt  }
0x63: {  	_ =	shalt  }
0x64: {  	_ =	shalt  }
0x65: {  	_ =	shalt  }
0x66: {  	_ =	shalt  }
0x67: {  	_ =	shalt  }
0x68: {  	_ =	shalt  }
0x69: {  	_ =	shalt  }
0x6a: {  	_ =	shalt  }
0x6b: {  	_ =	shalt  }
0x6c: {  	_ =	shalt  }
0x6d: {  	_ =	shalt  }
0x6e: {  	_ =	shalt  }
0x6f: {  	_ =	shalt  }
0x70: {  	_ =	shalt  }
0x71: {  	_ =	shalt  }
0x72: {  	_ =	shalt  }
0x73: {  	_ =	shalt  }
0x74: {  	_ =	shalt  }
0x75: {  	_ =	shalt  }
0x76: {  	_ =	shalt  }
0x77: {  	_ =	shalt  }
0x78: {  	_ =	shalt  }
0x79: {  	_ =	shalt  }
0x7a: {  	_ =	shalt  }
0x7b: {  	_ =	shalt  }
0x7c: {  	_ =	shalt  }
0x7d: {  	_ =	shalt  }
0x7e: {  	_ =	shalt  }
0x7f: {  	_ =	shalt  }
0x80: {  	_ =	shalt  }
0x81: {  	_ =	shalt  }
0x82: {  	_ =	shalt  }
0x83: {  	_ =	shalt  }
0x84: {  	_ =	shalt  }
0x85: {  	_ =	shalt  }
0x86: {  	_ =	shalt  }
0x87: {  	_ =	shalt  }
.Lfunc_end0:
.L_simem_size_0:
called_computation_lowered:
.L_overlay_start_0:
0x88: {  	s2 =	sld [smem:$0x3FD9]  }
0x89: {  	s3 =	sld [smem:$0x3FFE];
	_ =	sdelay $0x1  }
0x8a: {  	s1 =	srdreg.scid  }
0x8b: {  	s0 =	sand.u32 $0x1, s1  }
0x8c: {  	s17 =	sshll.u32 s0, $0xA;
	s2 =	sadd.s32 s3, s2  }
0x8d: {  	s2 =	sadd.s32 s2, s17  }
0x8e: {  	[smem:$0x3FC6] =	sst s2  }
0x8f: {  	_ = 	snop  }
0x90: {  	s2 =	sld [smem:$0x3FC8]  }
0x91: {  	s18 =	sld [smem:$0x3FD0];
	(tm) =	ssettm $0x1  }
0x92: {  	s4 =	sld [smem:$0x3FFB];
	_ =	sdelay $0x3  }
0x93: {  	_ =	strace s4  }
0x94: {  	s4 =	sld [smem:$0x3FFC];
	_ =	sdelay $0x3  }
0x95: {  	_ =	strace s4  }
0x96: {  	s4 =	sld [smem:$0x3FFD];
	_ =	sdelay $0x3  }
0x97: {  	_ =	strace s4  }
0x98: {  	_ =	strace $0x8FFFFFFF  }
0x99: {  	s19 =	sld [smem:$0x3FDB];
	_ =	sdelay $0x1  }
0x9a: {  	s5 =	simm.s32 $_scs_section_size  }
0x9b: {  	s6 =	simm.s32 $_size__tile_overlayer_lowered;
	s7 =	simm.s32 $_tile_overlayer_lowered  }
0x9c: {  	s22 =	simm.s32 $0x1BFF;
	s21 =	sshll.u32 s7, $0x1;
	s4 =	sadd.s32 s5, s19  }
0x9d: {  	s8 =	simm.s32 $0x0;
	s20 =	sshll.u32 s6, $0x1;
	s6 =	sadd.s32 s21, s4  }
0x9e: {  	[timem:s8], [sflag:s22] =	dma.local [hbm:s6], s20  }
0x9f: {  	_ =	swait.ge [sflag:s22], s20  }
0xa0: {  	s5 =	ssub.s32 $0x0, s20;
	[sflag:s22] =	ssyncset.done $0x0  }
0xa1: {  	[sflag:s22] =	ssyncadd.s32 s5;
	_ =	sdelay $0x1  }
0xa2: {  	s23 =	simm.s32 $0x1B8B  }
0xa3: {  	_ =	swait.ge [sflag:s23], $0x1  }
0xa4: {  	[sflag:s23] =	ssyncset.done $0x0  }
0xa5: {  	s25 =	simm.s32 $0x1B8E;
	s24 =	sld [smem:$0x3FFE];
	[sflag:s23] =	ssyncadd.s32 $0xFFFFFFFF  }
0xa6: {  	s26 =	simm.s32 $execute0_lowered;
	[smem:$0x3FD2] =	sst s25  }
0xa7: {  	s6 =	sshll.u32 s26, $0x1;
	_ =	strace $0x80000046;
	[dreg:$0x1] =	wrdreg $0xFFFFFFFF  }
0xa8: {  	s28 =	simm.s32 $_size_execute0_lowered;
	s4 =	sadd.s32 s4, s6;
	[dreg:$0x0] =	wrdreg $0x0  }
0xa9: {  	s6 =	sshll.u32 s28, $0x1;
	[dreg:$0x2] =	wrdreg s4  }
0xaa: {  	[dreg:$0x3] =	wrdreg s6  }
0xab: {  	[dreg:$0x4] =	wrdreg $0xC0  }
0xac: {  	_ =	task [dreg:s8], $0x5FFFF  }
0xad: {  	[dreg:$0x1] =	wrdreg $0xFFFFFFFF  }
0xae: {  	[dreg:$0x0] =	wrdreg $0x60  }
0xaf: {  	[dreg:$0x2] =	wrdreg s2  }
0xb0: {  	[dreg:$0x3] =	wrdreg s24  }
0xb1: {  	[dreg:$0x4] =	wrdreg s18  }
0xb2: {  	[dreg:$0x5] =	wrdreg $0x9  }
0xb3: {  	_ =	task.clear_ibuf [dreg:s8], $0x6FFFF;
	_ =	strace $0x90000046  }
0xb4: {  	s29 =	simm.s32 $0x9;
	_ =	strace $0x80000048  }
0xb5: {  	_ =	swait.ge [sflag:s29], $0x1  }
0xb6: {  	[sflag:s29] =	ssyncadd.s32 $0xFFFFFFFF  }
0xb7: {  	_ =	strace $0x90000048  }
0xb8: {  	_ =	sfence  }
0xb9: {  	s30 =	sld [smem:$0x0];
	_ =	sdelay $0x2  }
0xba: {  	s31 =	sshll.u32 s1, $0xD;
	s1 =	sshrl.u32 s1, $0x2  }
0xbb: {  	s3 =	sand.u32 $0x4000, s31;
	s1 =	sadd.s32 s1, s30  }
0xbc: {  	s0 =	sor.u32 s3, s0;
	s1 =	sshll.u32 s1, $0x11  }
0xbd: {  	s0 =	sor.u32 s1, s0  }
0xbe: {  	s0 =	sadd.s32 $0x8F2B, s0  }
0xbf: {  	[sflag:s0] =	ssyncadd.remote.s32 $0x1  }
0xc0: {  	_ =	sfence.sel $0xFFFF  }
0xc1: {  	[dreg:$0x0] =	wrdreg $0xFFFFFFFF;
	(pc) =	sbr.abs _section_cstart, $3  }
0xc2: {  	[dreg:$0x1] =	wrdreg $0xFFFFFFFF  }
0xc3: {  	_ =	task.clear_ibuf [dreg:s8], $0x2FFFF;
	_ =	strace $0x9FFFFFFF  }
0xc4: {  	(tm) =	ssettm $0x7FFFFFFF  }
0xc5: {  	_ =	shalt  }
tec
execute0_lowered:
.L_overlay_start_1:
0x0: {  	(tag) =	ssettag $0x1  }
0x1: {  	s1 =	rddreg [dreg:$0x0]  }
0x2: {  	s0 =	rddreg [dreg:$0x1];
	s2 =	srdreg.scid  }
0x3: {  	s4 =	simm.s32 $0x0;
	s23 =	stileid.u32;
	s28 =	simm.s32 $0x2  }
0x4: {  	s29 =	simm.s32 $0x3;
	s30 =	simm.s32 $0x4;
	s2 =	sand.u32 $0x1, s2  }
0x5: {  	s3 =	sshll.u32 s23, $0xA;
	[smem:$0x7FF] =	sst s4;
	s7 =	sadd.s32 $0x800, s1  }
0x6: {  	s8 =	sadd.s32 $0xC00, s1;
	s9 =	sadd.s32 $0x1000, s1;
	s10 =	sadd.s32 $0x1400, s1  }
0x7: {  	s11 =	sadd.s32 $0x1800, s1;
	s12 =	sadd.s32 $0x1C00, s1;
	s13 =	sadd.s32 $0x2000, s1  }
0x8: {  	s14 =	sadd.s32 $0x2400, s1;
	s15 =	sadd.s32 $0x2800, s1;
	s16 =	sadd.s32 $0x2C00, s1  }
0x9: {  	s17 =	sadd.s32 $0x3000, s1;
	s18 =	sadd.s32 $0x3400, s1;
	s19 =	sadd.s32 $0x3800, s1  }
0xa: {  	s20 =	sadd.s32 $0x3C00, s1;
	s21 =	sadd.s32 $0x4000, s1;
	s22 =	sadd.s32 $0x4400, s1  }
0xb: {  	s31 =	sshll.u32 s23, $0x7;
	s23 =	simm.s32 $0x1000;
	s5 =	sshll.u32 s2, $0x9  }
0xc: {  	s6 =	ssub.s32 $0x2, s2;
	_ =	strace $0x80000047;
	s2 =	sshll.u32 s2, $0x6  }
0xd: {  	s3 =	sor.u32 s5, s3;
	s24 =	sshrl.u32 s6, $0x1;
	s5 =	simm.s32 $0x1  }
.Ltmp0:
0xe: {  	s0 =	sadd.s32 s3, s0;
	s25 =	ssub.s32 s6, s24;
	(pc) =	sbr.rel .LBB2_1-.Ltmp0, $4  }
0xf: {  	s6 =	sadd.s32 $0x400, s1;
	s1 =	simm.s32 $0x1000;
	s0 =	sadd.s32 $0x400, s0  }
0x10: {  	v0 =	vlaneseq.u32;
	s24 =	simm.s32 $0x100;
	s26 =	smax.u32 s25, $0x1;
	[dreg:$0x4] =	wrdreg s0  }
0x11: {  	v1 =	vshrl.u32 v0, $0x1;
	s3 =	simm.s32 $0x0;
	[dreg:$0x5] =	wrdreg s26;
	s0 =	sor.u32 s2, s31  }
0x12: {  	vm0 =	vmmov $0xffff;
	v0 =	vand.u32 $0x1, v0;
	v1 =	vmul.u32 $0x8, v1;
	s25 =	simm.s32 $0x400;
	s2 =	simm.s32 $0xA000;
	[dreg:$0x6] =	wrdreg s0  }
.LBB2_4:
0x13: {  	_ =	swait.ge [sflag:s28], $0x9000  }
0x14: {  	[sflag:s28] =	ssyncset.done $0x0  }
0x15: {  	s2 =	simm.s32 $0xA000;
	[sflag:s28] =	ssyncadd.s32 $0xFFFF7000  }
0x16: {  	[hbm4b:s3+s24] =	stream.strided.scatter [tilespmem:s2], [sflag:$0x4], $0x9000, s25, s24, $0x38;
	[tilespmem:$0x13000] =	vst v63  }
0x17: {  	_ =	swait.ge [sflag:s29], $0x9000  }
0x18: {  	[sflag:s29] =	ssyncset.done $0x0  }
0x19: {  	[sflag:s29] =	ssyncadd.s32 $0xFFFF7000  }
0x1a: {  	_ =	swait.ge [sflag:s30], $0x9000  }
0x1b: {  	s31 =	rddreg [dreg:$0x7]  }
0x1c: {  	s0 =	rddreg [dreg:$0x5];
	s3 =	sadd.s32 $0x1, s31  }
0x1d: {  	p0 =	sne.s32 s3, s0  }
.Ltmp1:
0x1e: {  	_ = 	snop;
	(pc) =	sbr.rel @!p0 .LBB2_5-.Ltmp1, $3  }
0x1f: {  	_ =	sdelay $0x1  }
0x20: {  	[sflag:s30] =	ssyncset.done $0x0  }
0x21: {  	s1 =	simm.s32 $0x1000;
	[sflag:s30] =	ssyncadd.s32 $0xFFFF7000  }
.LBB2_1:
0x22: {  	[dreg:$0x7] =	wrdreg s3  }
0x23: {  	s0 =	rddreg [dreg:$0x4];
	s26 =	simm.s32 $0x5  }
0x24: {  	[tilespmem:s4], [sflag:$0x5] =	stream.linear.gather [hbm4b:s0+s4], $0x1000, $0x38;
	[tilespmem:$0x13000] =	vst v63  }
0x25: {  	_ =	swait.ge [sflag:s26], $0x1000  }
0x26: {  	[sflag:s26] =	ssyncset.done $0x0  }
0x27: {  	[sflag:s26] =	ssyncadd.s32 $0xFFFFF000  }
0x28: {  	v2 =	vld.msk [tilespmem:$0x0], $0x3;
	_ =	sdelay $0x4  }
0x29: {  	v3 =	vshrl.u32 v2, $0x3  }
0x2a: {  	v3 =	vmul.u32 $0x480, v3  }
0x2b: {  	v2 =	vand.u32 $0x7, v2  }
0x2c: {  	v2 =	vor.u32 v2, v3  }
0x2d: {  	v2 =	vperm.xlane v2, v0;
	_ =	sdelay $0x1  }
0x2e: {  	v2 =	vadd.s32 v1, v2;
	_ =	sdelay $0x3  }
0x2f: {  	s0 =	rddreg [dreg:$0x0]  }
0x30: {  	[tilespmem:s1], [sflag:$0x1] =	stream.indirect_vreg.gather [hbm4b:s0+s4], $0x80, v2, vm0, $0xb8;
	[tilespmem:$0x13000] =	vst v63  }
0x31: {  	s3 =	simm.s32 $0x1800  }
0x32: {  	[tilespmem:s3], [sflag:$0x1] =	stream.indirect_vreg.gather [hbm4b:s6+s4], $0x80, v2, vm0, $0xb8;
	[tilespmem:$0x13000] =	vst v63  }
0x33: {  	s26 =	simm.s32 $0x2000  }
0x34: {  	[tilespmem:s26], [sflag:$0x1] =	stream.indirect_vreg.gather [hbm4b:s7+s4], $0x80, v2, vm0, $0xb8;
	[tilespmem:$0x13000] =	vst v63  }
0x35: {  	s3 =	simm.s32 $0x2800  }
0x36: {  	[tilespmem:s3], [sflag:$0x1] =	stream.indirect_vreg.gather [hbm4b:s8+s4], $0x80, v2, vm0, $0xb8;
	[tilespmem:$0x13000] =	vst v63  }
0x37: {  	s26 =	simm.s32 $0x3000  }
0x38: {  	[tilespmem:s26], [sflag:$0x1] =	stream.indirect_vreg.gather [hbm4b:s9+s4], $0x80, v2, vm0, $0xb8;
	[tilespmem:$0x13000] =	vst v63  }
0x39: {  	s3 =	simm.s32 $0x3800  }
0x3a: {  	[tilespmem:s3], [sflag:$0x1] =	stream.indirect_vreg.gather [hbm4b:s10+s4], $0x80, v2, vm0, $0xb8;
	[tilespmem:$0x13000] =	vst v63  }
0x3b: {  	s26 =	simm.s32 $0x4000  }
0x3c: {  	[tilespmem:s26], [sflag:$0x1] =	stream.indirect_vreg.gather [hbm4b:s11+s4], $0x80, v2, vm0, $0xb8;
	[tilespmem:$0x13000] =	vst v63  }
0x3d: {  	s3 =	simm.s32 $0x4800  }
0x3e: {  	[tilespmem:s3], [sflag:$0x1] =	stream.indirect_vreg.gather [hbm4b:s12+s4], $0x80, v2, vm0, $0xb8;
	[tilespmem:$0x13000] =	vst v63  }
0x3f: {  	s26 =	simm.s32 $0x5000  }
0x40: {  	[tilespmem:s26], [sflag:$0x1] =	stream.indirect_vreg.gather [hbm4b:s13+s4], $0x80, v2, vm0, $0xb8;
	[tilespmem:$0x13000] =	vst v63  }
0x41: {  	s3 =	simm.s32 $0x5800  }
0x42: {  	[tilespmem:s3], [sflag:$0x1] =	stream.indirect_vreg.gather [hbm4b:s14+s4], $0x80, v2, vm0, $0xb8;
	[tilespmem:$0x13000] =	vst v63  }
0x43: {  	s26 =	simm.s32 $0x6000  }
0x44: {  	[tilespmem:s26], [sflag:$0x1] =	stream.indirect_vreg.gather [hbm4b:s15+s4], $0x80, v2, vm0, $0xb8;
	[tilespmem:$0x13000] =	vst v63  }
0x45: {  	s3 =	simm.s32 $0x6800  }
0x46: {  	[tilespmem:s3], [sflag:$0x1] =	stream.indirect_vreg.gather [hbm4b:s16+s4], $0x80, v2, vm0, $0xb8;
	[tilespmem:$0x13000] =	vst v63  }
0x47: {  	s26 =	simm.s32 $0x7000  }
0x48: {  	[tilespmem:s26], [sflag:$0x1] =	stream.indirect_vreg.gather [hbm4b:s17+s4], $0x80, v2, vm0, $0xb8;
	[tilespmem:$0x13000] =	vst v63  }
0x49: {  	s3 =	simm.s32 $0x7800  }
0x4a: {  	[tilespmem:s3], [sflag:$0x1] =	stream.indirect_vreg.gather [hbm4b:s18+s4], $0x80, v2, vm0, $0xb8;
	[tilespmem:$0x13000] =	vst v63  }
0x4b: {  	s26 =	simm.s32 $0x8000  }
0x4c: {  	[tilespmem:s26], [sflag:$0x1] =	stream.indirect_vreg.gather [hbm4b:s19+s4], $0x80, v2, vm0, $0xb8;
	[tilespmem:$0x13000] =	vst v63  }
0x4d: {  	s3 =	simm.s32 $0x8800  }
0x4e: {  	[tilespmem:s3], [sflag:$0x1] =	stream.indirect_vreg.gather [hbm4b:s20+s4], $0x80, v2, vm0, $0xb8;
	[tilespmem:$0x13000] =	vst v63  }
0x4f: {  	s26 =	simm.s32 $0x9000  }
0x50: {  	[tilespmem:s26], [sflag:$0x1] =	stream.indirect_vreg.gather [hbm4b:s21+s4], $0x80, v2, vm0, $0xb8;
	[tilespmem:$0x13000] =	vst v63  }
0x51: {  	s3 =	simm.s32 $0x9800  }
0x52: {  	[tilespmem:s3], [sflag:$0x1] =	stream.indirect_vreg.gather [hbm4b:s22+s4], $0x80, v2, vm0, $0xb8;
	[tilespmem:$0x13000] =	vst v63  }
0x53: {  	v2 =	vld.msk [tilespmem:$0x80], $0x3;
	_ =	sdelay $0x4  }
0x54: {  	v3 =	vshrl.u32 v2, $0x3  }
0x55: {  	v3 =	vmul.u32 $0x480, v3  }
0x56: {  	v2 =	vand.u32 $0x7, v2  }
0x57: {  	v2 =	vor.u32 v2, v3  }
0x58: {  	v2 =	vperm.xlane v2, v0;
	_ =	sdelay $0x1  }
0x59: {  	v2 =	vadd.s32 v1, v2;
	_ =	sdelay $0x4  }
0x5a: {  	[tilespmem:s2], [sflag:$0x2] =	stream.indirect_vreg.gather [hbm4b:s0+s4], $0x80, v2, vm0, $0xb8;
	[tilespmem:$0x13000] =	vst v63  }
0x5b: {  	s26 =	simm.s32 $0xA800  }
0x5c: {  	[tilespmem:s26], [sflag:$0x2] =	stream.indirect_vreg.gather [hbm4b:s6+s4], $0x80, v2, vm0, $0xb8;
	[tilespmem:$0x13000] =	vst v63  }
0x5d: {  	s1 =	simm.s32 $0xB000  }
0x5e: {  	[tilespmem:s1], [sflag:$0x2] =	stream.indirect_vreg.gather [hbm4b:s7+s4], $0x80, v2, vm0, $0xb8;
	[tilespmem:$0x13000] =	vst v63  }
0x5f: {  	s2 =	simm.s32 $0xB800  }
0x60: {  	[tilespmem:s2], [sflag:$0x2] =	stream.indirect_vreg.gather [hbm4b:s8+s4], $0x80, v2, vm0, $0xb8;
	[tilespmem:$0x13000] =	vst v63  }
0x61: {  	s3 =	simm.s32 $0xC000  }
0x62: {  	[tilespmem:s3], [sflag:$0x2] =	stream.indirect_vreg.gather [hbm4b:s9+s4], $0x80, v2, vm0, $0xb8;
	[tilespmem:$0x13000] =	vst v63  }
0x63: {  	s26 =	simm.s32 $0xC800  }
0x64: {  	[tilespmem:s26], [sflag:$0x2] =	stream.indirect_vreg.gather [hbm4b:s10+s4], $0x80, v2, vm0, $0xb8;
	[tilespmem:$0x13000] =	vst v63  }
0x65: {  	s1 =	simm.s32 $0xD000  }
0x66: {  	[tilespmem:s1], [sflag:$0x2] =	stream.indirect_vreg.gather [hbm4b:s11+s4], $0x80, v2, vm0, $0xb8;
	[tilespmem:$0x13000] =	vst v63  }
0x67: {  	s2 =	simm.s32 $0xD800  }
0x68: {  	[tilespmem:s2], [sflag:$0x2] =	stream.indirect_vreg.gather [hbm4b:s12+s4], $0x80, v2, vm0, $0xb8;
	[tilespmem:$0x13000] =	vst v63  }
0x69: {  	s3 =	simm.s32 $0xE000  }
0x6a: {  	[tilespmem:s3], [sflag:$0x2] =	stream.indirect_vreg.gather [hbm4b:s13+s4], $0x80, v2, vm0, $0xb8;
	[tilespmem:$0x13000] =	vst v63  }
0x6b: {  	s26 =	simm.s32 $0xE800  }
0x6c: {  	[tilespmem:s26], [sflag:$0x2] =	stream.indirect_vreg.gather [hbm4b:s14+s4], $0x80, v2, vm0, $0xb8;
	[tilespmem:$0x13000] =	vst v63  }
0x6d: {  	s1 =	simm.s32 $0xF000  }
0x6e: {  	[tilespmem:s1], [sflag:$0x2] =	stream.indirect_vreg.gather [hbm4b:s15+s4], $0x80, v2, vm0, $0xb8;
	[tilespmem:$0x13000] =	vst v63  }
0x6f: {  	s2 =	simm.s32 $0xF800  }
0x70: {  	[tilespmem:s2], [sflag:$0x2] =	stream.indirect_vreg.gather [hbm4b:s16+s4], $0x80, v2, vm0, $0xb8;
	[tilespmem:$0x13000] =	vst v63  }
0x71: {  	s3 =	simm.s32 $0x10000  }
0x72: {  	[tilespmem:s3], [sflag:$0x2] =	stream.indirect_vreg.gather [hbm4b:s17+s4], $0x80, v2, vm0, $0xb8;
	[tilespmem:$0x13000] =	vst v63  }
0x73: {  	s26 =	simm.s32 $0x10800  }
0x74: {  	[tilespmem:s26], [sflag:$0x2] =	stream.indirect_vreg.gather [hbm4b:s18+s4], $0x80, v2, vm0, $0xb8;
	[tilespmem:$0x13000] =	vst v63  }
0x75: {  	s1 =	simm.s32 $0x11000  }
0x76: {  	[tilespmem:s1], [sflag:$0x2] =	stream.indirect_vreg.gather [hbm4b:s19+s4], $0x80, v2, vm0, $0xb8;
	[tilespmem:$0x13000] =	vst v63  }
0x77: {  	s2 =	simm.s32 $0x11800  }
0x78: {  	[tilespmem:s2], [sflag:$0x2] =	stream.indirect_vreg.gather [hbm4b:s20+s4], $0x80, v2, vm0, $0xb8;
	[tilespmem:$0x13000] =	vst v63  }
0x79: {  	s31 =	simm.s32 $0x180;
	s3 =	simm.s32 $0x12000  }
0x7a: {  	[tilespmem:s3], [sflag:$0x2] =	stream.indirect_vreg.gather [hbm4b:s21+s4], $0x80, v2, vm0, $0xb8;
	[tilespmem:$0x13000] =	vst v63  }
0x7b: {  	s0 =	rddreg [dreg:$0x6];
	s26 =	simm.s32 $0x12800;
	s2 =	simm.s32 $0x0  }
0x7c: {  	[tilespmem:s26], [sflag:$0x2] =	stream.indirect_vreg.gather [hbm4b:s22+s4], $0x80, v2, vm0, $0xb8;
	[tilespmem:$0x13000] =	vst v63  }
.LBB2_2:
0x7d: {  	s3 =	sshrl.u32 s0, $0x3  }
0x7e: {  	_ =	swait.ge [sflag:s5], $0x9000;
	s3 =	smul.u32 $0x24000, s3  }
0x7f: {  	s1 =	sand.u32 $0x200, s2;
	p0 =	seq.s32 s2, $0x1E00;
	[sflag:s5] =	ssyncset.done $0x0  }
.Ltmp2:
0x80: {  	[sflag:s5] =	ssyncadd.s32 $0xFFFF7000;
	s1 =	sor.u32 s1, s3;
	(pc) =	sbr.rel @p0 .LBB2_4-.Ltmp2, $4  }
0x81: {  	s26 =	rddreg [dreg:$0x2];
	s1 =	sshrl.u32 s1, $0x3  }
0x82: {  	s3 =	sadd.s32 s26, s1;
	s1 =	sadd.s32 s1, s26  }
0x83: {  	[hbm4b:s3+s24] =	stream.strided.scatter [tilespmem:s23], [sflag:$0x3], $0x9000, s25, s24, $0x38;
	[tilespmem:$0x13000] =	vst v63  }
0x84: {  	s3 =	sadd.s32 $0x20, s1  }
0x85: {  	_ =	swait.ge [sflag:s29], $0x9000  }
0x86: {  	[sflag:s29] =	ssyncset.done $0x0  }
0x87: {  	[sflag:s29] =	ssyncadd.s32 $0xFFFF7000  }
0x88: {  	v2 =	vld.msk [tilespmem:s31+$0xFFFFFF80], $0x3;
	_ =	sdelay $0x4  }
0x89: {  	v3 =	vshrl.u32 v2, $0x3  }
0x8a: {  	v3 =	vmul.u32 $0x480, v3  }
0x8b: {  	v2 =	vand.u32 $0x7, v2  }
0x8c: {  	v2 =	vor.u32 v2, v3  }
0x8d: {  	v2 =	vperm.xlane v2, v0;
	_ =	sdelay $0x1  }
0x8e: {  	v2 =	vadd.s32 v1, v2;
	_ =	sdelay $0x3  }
0x8f: {  	s1 =	rddreg [dreg:$0x0]  }
0x90: {  	[tilespmem:s23], [sflag:$0x1] =	stream.indirect_vreg.gather [hbm4b:s1+s4], $0x80, v2, vm0, $0xb8;
	[tilespmem:$0x13000] =	vst v63  }
0x91: {  	s26 =	simm.s32 $0x1800  }
0x92: {  	[tilespmem:s26], [sflag:$0x1] =	stream.indirect_vreg.gather [hbm4b:s6+s4], $0x80, v2, vm0, $0xb8;
	[tilespmem:$0x13000] =	vst v63  }
0x93: {  	s26 =	simm.s32 $0x2000  }
0x94: {  	[tilespmem:s26], [sflag:$0x1] =	stream.indirect_vreg.gather [hbm4b:s7+s4], $0x80, v2, vm0, $0xb8;
	[tilespmem:$0x13000] =	vst v63  }
0x95: {  	s26 =	simm.s32 $0x2800  }
0x96: {  	[tilespmem:s26], [sflag:$0x1] =	stream.indirect_vreg.gather [hbm4b:s8+s4], $0x80, v2, vm0, $0xb8;
	[tilespmem:$0x13000] =	vst v63  }
0x97: {  	s26 =	simm.s32 $0x3000  }
0x98: {  	[tilespmem:s26], [sflag:$0x1] =	stream.indirect_vreg.gather [hbm4b:s9+s4], $0x80, v2, vm0, $0xb8;
	[tilespmem:$0x13000] =	vst v63  }
0x99: {  	s26 =	simm.s32 $0x3800  }
0x9a: {  	[tilespmem:s26], [sflag:$0x1] =	stream.indirect_vreg.gather [hbm4b:s10+s4], $0x80, v2, vm0, $0xb8;
	[tilespmem:$0x13000] =	vst v63  }
0x9b: {  	s26 =	simm.s32 $0x4000  }
0x9c: {  	[tilespmem:s26], [sflag:$0x1] =	stream.indirect_vreg.gather [hbm4b:s11+s4], $0x80, v2, vm0, $0xb8;
	[tilespmem:$0x13000] =	vst v63  }
0x9d: {  	s26 =	simm.s32 $0x4800  }
0x9e: {  	[tilespmem:s26], [sflag:$0x1] =	stream.indirect_vreg.gather [hbm4b:s12+s4], $0x80, v2, vm0, $0xb8;
	[tilespmem:$0x13000] =	vst v63  }
0x9f: {  	s26 =	simm.s32 $0x5000  }
0xa0: {  	[tilespmem:s26], [sflag:$0x1] =	stream.indirect_vreg.gather [hbm4b:s13+s4], $0x80, v2, vm0, $0xb8;
	[tilespmem:$0x13000] =	vst v63  }
0xa1: {  	s26 =	simm.s32 $0x5800  }
0xa2: {  	[tilespmem:s26], [sflag:$0x1] =	stream.indirect_vreg.gather [hbm4b:s14+s4], $0x80, v2, vm0, $0xb8;
	[tilespmem:$0x13000] =	vst v63  }
0xa3: {  	s26 =	simm.s32 $0x6000  }
0xa4: {  	[tilespmem:s26], [sflag:$0x1] =	stream.indirect_vreg.gather [hbm4b:s15+s4], $0x80, v2, vm0, $0xb8;
	[tilespmem:$0x13000] =	vst v63  }
0xa5: {  	s26 =	simm.s32 $0x6800  }
0xa6: {  	[tilespmem:s26], [sflag:$0x1] =	stream.indirect_vreg.gather [hbm4b:s16+s4], $0x80, v2, vm0, $0xb8;
	[tilespmem:$0x13000] =	vst v63  }
0xa7: {  	s26 =	simm.s32 $0x7000  }
0xa8: {  	[tilespmem:s26], [sflag:$0x1] =	stream.indirect_vreg.gather [hbm4b:s17+s4], $0x80, v2, vm0, $0xb8;
	[tilespmem:$0x13000] =	vst v63  }
0xa9: {  	s26 =	simm.s32 $0x7800  }
0xaa: {  	[tilespmem:s26], [sflag:$0x1] =	stream.indirect_vreg.gather [hbm4b:s18+s4], $0x80, v2, vm0, $0xb8;
	[tilespmem:$0x13000] =	vst v63  }
0xab: {  	s26 =	simm.s32 $0x8000  }
0xac: {  	[tilespmem:s26], [sflag:$0x1] =	stream.indirect_vreg.gather [hbm4b:s19+s4], $0x80, v2, vm0, $0xb8;
	[tilespmem:$0x13000] =	vst v63  }
0xad: {  	s26 =	simm.s32 $0x8800  }
0xae: {  	[tilespmem:s26], [sflag:$0x1] =	stream.indirect_vreg.gather [hbm4b:s20+s4], $0x80, v2, vm0, $0xb8;
	[tilespmem:$0x13000] =	vst v63  }
0xaf: {  	s26 =	simm.s32 $0x9000  }
0xb0: {  	[tilespmem:s26], [sflag:$0x1] =	stream.indirect_vreg.gather [hbm4b:s21+s4], $0x80, v2, vm0, $0xb8;
	[tilespmem:$0x13000] =	vst v63  }
0xb1: {  	s26 =	simm.s32 $0x9800  }
0xb2: {  	[tilespmem:s26], [sflag:$0x1] =	stream.indirect_vreg.gather [hbm4b:s22+s4], $0x80, v2, vm0, $0xb8;
	[tilespmem:$0x13000] =	vst v63  }
0xb3: {  	_ =	swait.ge [sflag:s28], $0x9000  }
0xb4: {  	[sflag:s28] =	ssyncset.done $0x0  }
0xb5: {  	s26 =	simm.s32 $0xA000;
	[sflag:s28] =	ssyncadd.s32 $0xFFFF7000  }
0xb6: {  	[hbm4b:s3+s24] =	stream.strided.scatter [tilespmem:s26], [sflag:$0x4], $0x9000, s25, s24, $0x38;
	[tilespmem:$0x13000] =	vst v63  }
0xb7: {  	_ =	swait.ge [sflag:s30], $0x9000  }
0xb8: {  	[sflag:s30] =	ssyncset.done $0x0  }
0xb9: {  	[sflag:s30] =	ssyncadd.s32 $0xFFFF7000  }
0xba: {  	v2 =	vld.msk [tilespmem:s31+$0x0], $0x3;
	_ =	sdelay $0x4  }
0xbb: {  	v3 =	vshrl.u32 v2, $0x3  }
0xbc: {  	v3 =	vmul.u32 $0x480, v3  }
0xbd: {  	v2 =	vand.u32 $0x7, v2  }
0xbe: {  	v2 =	vor.u32 v2, v3  }
0xbf: {  	v2 =	vperm.xlane v2, v0;
	_ =	sdelay $0x1  }
0xc0: {  	v2 =	vadd.s32 v1, v2;
	_ =	sdelay $0x4  }
0xc1: {  	[tilespmem:s26], [sflag:$0x2] =	stream.indirect_vreg.gather [hbm4b:s1+s4], $0x80, v2, vm0, $0xb8;
	[tilespmem:$0x13000] =	vst v63  }
0xc2: {  	s26 =	simm.s32 $0xA800  }
0xc3: {  	[tilespmem:s26], [sflag:$0x2] =	stream.indirect_vreg.gather [hbm4b:s6+s4], $0x80, v2, vm0, $0xb8;
	[tilespmem:$0x13000] =	vst v63  }
0xc4: {  	s3 =	simm.s32 $0xB000  }
0xc5: {  	[tilespmem:s3], [sflag:$0x2] =	stream.indirect_vreg.gather [hbm4b:s7+s4], $0x80, v2, vm0, $0xb8;
	[tilespmem:$0x13000] =	vst v63  }
0xc6: {  	s26 =	simm.s32 $0xB800  }
0xc7: {  	[tilespmem:s26], [sflag:$0x2] =	stream.indirect_vreg.gather [hbm4b:s8+s4], $0x80, v2, vm0, $0xb8;
	[tilespmem:$0x13000] =	vst v63  }
0xc8: {  	s3 =	simm.s32 $0xC000  }
0xc9: {  	[tilespmem:s3], [sflag:$0x2] =	stream.indirect_vreg.gather [hbm4b:s9+s4], $0x80, v2, vm0, $0xb8;
	[tilespmem:$0x13000] =	vst v63  }
0xca: {  	s26 =	simm.s32 $0xC800  }
0xcb: {  	[tilespmem:s26], [sflag:$0x2] =	stream.indirect_vreg.gather [hbm4b:s10+s4], $0x80, v2, vm0, $0xb8;
	[tilespmem:$0x13000] =	vst v63  }
0xcc: {  	s3 =	simm.s32 $0xD000  }
0xcd: {  	[tilespmem:s3], [sflag:$0x2] =	stream.indirect_vreg.gather [hbm4b:s11+s4], $0x80, v2, vm0, $0xb8;
	[tilespmem:$0x13000] =	vst v63  }
0xce: {  	s26 =	simm.s32 $0xD800  }
0xcf: {  	[tilespmem:s26], [sflag:$0x2] =	stream.indirect_vreg.gather [hbm4b:s12+s4], $0x80, v2, vm0, $0xb8;
	[tilespmem:$0x13000] =	vst v63  }
0xd0: {  	s3 =	simm.s32 $0xE000  }
0xd1: {  	[tilespmem:s3], [sflag:$0x2] =	stream.indirect_vreg.gather [hbm4b:s13+s4], $0x80, v2, vm0, $0xb8;
	[tilespmem:$0x13000] =	vst v63  }
0xd2: {  	s26 =	simm.s32 $0xE800  }
0xd3: {  	[tilespmem:s26], [sflag:$0x2] =	stream.indirect_vreg.gather [hbm4b:s14+s4], $0x80, v2, vm0, $0xb8;
	[tilespmem:$0x13000] =	vst v63  }
0xd4: {  	s3 =	simm.s32 $0xF000  }
0xd5: {  	[tilespmem:s3], [sflag:$0x2] =	stream.indirect_vreg.gather [hbm4b:s15+s4], $0x80, v2, vm0, $0xb8;
	[tilespmem:$0x13000] =	vst v63  }
0xd6: {  	s26 =	simm.s32 $0xF800  }
0xd7: {  	[tilespmem:s26], [sflag:$0x2] =	stream.indirect_vreg.gather [hbm4b:s16+s4], $0x80, v2, vm0, $0xb8;
	[tilespmem:$0x13000] =	vst v63  }
0xd8: {  	s3 =	simm.s32 $0x10000  }
0xd9: {  	[tilespmem:s3], [sflag:$0x2] =	stream.indirect_vreg.gather [hbm4b:s17+s4], $0x80, v2, vm0, $0xb8;
	[tilespmem:$0x13000] =	vst v63  }
0xda: {  	s26 =	simm.s32 $0x10800  }
0xdb: {  	[tilespmem:s26], [sflag:$0x2] =	stream.indirect_vreg.gather [hbm4b:s18+s4], $0x80, v2, vm0, $0xb8;
	[tilespmem:$0x13000] =	vst v63  }
0xdc: {  	s3 =	simm.s32 $0x11000  }
0xdd: {  	[tilespmem:s3], [sflag:$0x2] =	stream.indirect_vreg.gather [hbm4b:s19+s4], $0x80, v2, vm0, $0xb8;
	[tilespmem:$0x13000] =	vst v63  }
0xde: {  	s26 =	simm.s32 $0x11800  }
0xdf: {  	[tilespmem:s26], [sflag:$0x2] =	stream.indirect_vreg.gather [hbm4b:s20+s4], $0x80, v2, vm0, $0xb8;
	[tilespmem:$0x13000] =	vst v63  }
.Ltmp3:
0xe0: {  	_ = 	snop;
	(pc) =	sbr.rel .LBB2_2-.Ltmp3, $4  }
0xe1: {  	s2 =	sadd.s32 $0x200, s2;
	s3 =	simm.s32 $0x12000  }
0xe2: {  	[tilespmem:s3], [sflag:$0x2] =	stream.indirect_vreg.gather [hbm4b:s21+s4], $0x80, v2, vm0, $0xb8;
	[tilespmem:$0x13000] =	vst v63  }
0xe3: {  	s0 =	sadd.s32 $0x4, s0;
	s31 =	sadd.s32 $0x100, s31;
	s26 =	simm.s32 $0x12800  }
0xe4: {  	[tilespmem:s26], [sflag:$0x2] =	stream.indirect_vreg.gather [hbm4b:s22+s4], $0x80, v2, vm0, $0xb8;
	[tilespmem:$0x13000] =	vst v63  }
.LBB2_5:
0xe5: {  	_ =	sfence.sel $0x180000  }
0xe6: {  	[bflag:$0x0] =	sbarrier.arrive $0xFFFF  }
0xe7: {  	_ =	strace $0x90000047  }
0xe8: {  	s0 =	stileid.u32;
	[bflag:$0x2] =	sbarrier.arrive $0xFFFF  }
0xe9: {  	p0 =	sne.s32 s0, $0x0;
	s0 =	rddreg [dreg:$0x3]  }
0xea: {  	s0 =	sadd.s32 @!p0 $0x100000, s0  }
0xeb: {  	[sflag:s0] =	ssyncadd.tile.s32 @!p0 $0x1;
	_ =	shalt  }
.Lfunc_end2:
_tile_overlayer_lowered:
.L_overlay_start_2:
0xec: {  	(tag) =	ssettag $0x2  }
0xed: {  	s0 =	rddreg [dreg:$0x0];
	s2 =	stileid.u32  }
0xee: {  	s1 =	rddreg [dreg:$0x1];
	p0 =	sne.s32 s2, $0x0  }
0xef: {  	s3 =	rddreg [dreg:$0x2];
	[bflag:$0x3] =	sbarrier.arrive $0xFFFF;
	s2 =	simm.s32 @!p0 $0x1C05  }
0xf0: {  	[timem:s3], [sflag:s2] =	dma.local @!p0 [hbm:s0], s1  }
0xf1: {  	s0 =	simm.s32 @!p0 $0x5  }
0xf2: {  	_ =	swait.ge @!p0 [sflag:s0], s1  }
0xf3: {  	s1 =	ssub.s32 @!p0 $0x0, s1;
	[sflag:s0] =	ssyncset.done @!p0 $0x0  }
0xf4: {  	[sflag:s0] =	ssyncadd.s32 @!p0 s1  }
0xf5: {  	[bflag:$0x3] =	sbarrier.arrive $0xFFFF  }
0xf6: {  	_ =	shalt  }

</sc_bundles>
